<compile_context>
chip_gen: v7x
topology: tpu7x:2x2x1
jax: 0.10.2.dev20260603
libtpu: 0.0.44.dev20260713+nightly
codegen_flags: <defaults>
</compile_context>

<pallas_src>
import functools

import jax
import jax.numpy as jnp
from jax import lax
from jax.experimental import pallas as pl
from jax.experimental.pallas import tpu as pltpu
from jax.experimental.pallas import tpu_sc as plsc

_N_NODES = 100000
_D = 128
_B = 65536

_info = plsc.get_sparse_core_info()
_NC, _NS = _info.num_cores, _info.num_subcores
_NW = _NC * _NS
_B_PER_W = _B // _NW
_CHUNK = 128
_N_CHUNKS = _B_PER_W // _CHUNK
_NBUF = 7
_DEPTH = 6

_mesh = plsc.VectorSubcoreMesh(core_axis_name="c", subcore_axis_name="s")


@functools.partial(
    pl.kernel,
    mesh=_mesh,
    out_type=jax.ShapeDtypeStruct((_B, _D), jnp.float32),
    scratch_types=[
        pltpu.VMEM((_B_PER_W,), jnp.int32),
        pltpu.VMEM((_NBUF, _CHUNK, _D), jnp.float32),
        pltpu.SemaphoreType.DMA((_NBUF,)),
        pltpu.SemaphoreType.DMA((_NBUF,)),
    ],
)
def _gather_rows(table_hbm, idx_hbm, out_hbm, idx_v, rows_v, gsems, osems):
    wid = lax.axis_index("s") * _NC + lax.axis_index("c")
    base = wid * _B_PER_W
    pltpu.sync_copy(idx_hbm.at[pl.ds(base, _B_PER_W)], idx_v)

    def gather_chunk(j, buf):
        return pltpu.async_copy(
            table_hbm.at[idx_v.at[pl.ds(j * _CHUNK, _CHUNK)]],
            rows_v.at[buf],
            gsems.at[buf],
        )

    def put_chunk(j, buf):
        return pltpu.async_copy(
            rows_v.at[buf],
            out_hbm.at[pl.ds(base + j * _CHUNK, _CHUNK)],
            osems.at[buf],
        )

    for j in range(_DEPTH):
        gather_chunk(j, j)

    def body(j, carry):
        buf = lax.rem(j, _NBUF)
        pltpu.make_async_copy(
            table_hbm.at[pl.ds(0, _CHUNK)], rows_v.at[buf], gsems.at[buf]
        ).wait()
        put_chunk(j, buf)
        nj = j + _DEPTH
        nbuf = lax.rem(nj, _NBUF)

        @pl.when((j >= _NBUF - _DEPTH) & (nj < _N_CHUNKS))
        def _():
            pltpu.make_async_copy(
                rows_v.at[nbuf], out_hbm.at[pl.ds(base, _CHUNK)], osems.at[nbuf]
            ).wait()

        @pl.when(nj < _N_CHUNKS)
        def _():
            gather_chunk(nj, nbuf)

        return carry

    lax.fori_loop(0, _N_CHUNKS, body, 0)
    for b in range(_NBUF):
        pltpu.make_async_copy(
            rows_v.at[b], out_hbm.at[pl.ds(base, _CHUNK)], osems.at[b]
        ).wait()


def kernel(node_features, time_w, time_b, source_nodes, timestamps,
           n_layers, n_neighbors):
    del time_w, time_b, timestamps, n_layers, n_neighbors
    return _gather_rows(node_features, source_nodes)

# --- scband reference (transcript-rebuilt; emitter-appended) ---
"""Pipeline reference for scband-graph-embedding-84542136254918 (READ-ONLY COPY).

The authoritative reference and input builder live on the scoring server;
editing this copy changes nothing except your own understanding.
"""

import jax, jax.numpy as jnp
import numpy as np

N_NODES = 100000
D_FEAT = 128
D_TIME = 128
BATCH = 65536


def setup_inputs(seed: int = 0) -> dict:
    key = jax.random.key(seed)
    k1, k2, k3, k4, k5 = jax.random.split(key, 5)
    node_features = jax.random.normal(k1, (N_NODES, D_FEAT), dtype=jnp.float32)
    # TGN-style time encoder parameters: Linear(1 -> D_TIME) followed by cos
    time_w = jax.random.normal(k2, (D_TIME, 1), dtype=jnp.float32)
    time_b = jax.random.normal(k3, (D_TIME,), dtype=jnp.float32)
    source_nodes = jax.random.randint(k4, (BATCH,), 0, N_NODES, dtype=jnp.int32)
    timestamps = jax.random.uniform(k5, (BATCH,), dtype=jnp.float32, minval=0.0, maxval=10000.0)
    return {
        "node_features": node_features,
        "time_w": time_w,
        "time_b": time_b,
        "source_nodes": source_nodes,
        "timestamps": timestamps,
        "n_layers": 0,
        "n_neighbors": 20,
    }


def time_encode(t, w, b):
    # time_encoder(t) = cos(Linear(t)); t: [B, 1] -> [B, D_TIME]
    return jnp.cos(t @ w.T + b)


def reference(node_features, time_w, time_b, source_nodes, timestamps, n_layers, n_neighbors):
    # Faithful translation of GraphEmbedding.compute_embedding.
    # timestamps_torch = unsqueeze(timestamps, dim=1)
    ts = timestamps[:, None]
    # source_nodes_time_embedding = self.time_encoder(zeros_like(timestamps_torch))
    _source_nodes_time_embedding = time_encode(jnp.zeros_like(ts), time_w, time_b)
    # source_node_features = self.node_features[source_nodes_torch, :]
    source_node_features = jnp.take(node_features, source_nodes, axis=0)
    # For n_layers >= 1 the original module calls self.aggregate(...), which is
    # abstract in GraphEmbedding (returns None), so only n_layers == 0 is executable.
    # setup_inputs always passes n_layers == 0; the traced value is folded in so
    # the dependence on n_layers stays expressed in the graph.
    return jnp.where(n_layers == 0, source_node_features, source_node_features)

if __name__ == "__main__":
    import jax
    _d = setup_inputs()
    print(jax.jit(kernel)(*tuple(_d.values())))

</pallas_src>

<mosaic_0001>
#map = affine_map<(d0, d1) -> (0, 0)>
#map1 = affine_map<(d0, d1) -> (0)>
module attributes {stable_mosaic.version = 14 : i64} {
  func.func @_gather_rows(%arg0: i32, %arg1: i32, %arg2: memref<100000x128xf32, #tpu.memory_space<hbm>>, %arg3: memref<65536xi32, #tpu.memory_space<hbm>>, %arg4: memref<65536x128xf32, #tpu.memory_space<hbm>>, %arg5: memref<2048xi32, #tpu.memory_space<vmem>>, %arg6: memref<7x128x128xf32, #tpu.memory_space<vmem>>, %arg7: memref<7x!tpu.dma_semaphore, #tpu.memory_space<semaphore_mem>>, %arg8: memref<7x!tpu.dma_semaphore, #tpu.memory_space<semaphore_mem>>) attributes {dimension_semantics = [#tpu.dimension_semantics<core_parallel>, #tpu.dimension_semantics<subcore_parallel>], iteration_bounds = array<i64: 2, 16>, scalar_prefetch = 0 : i64, scratch_operands = 4 : i64, tpu.core_type = #tpu.core_type<sc_vector_subcore>, window_params = [{transform_indices = #map}, {transform_indices = #map1}, {transform_indices = #map}]} {
    %mul3A = arith.constant 2 : i32
    %mul3A_0 = arith.muli %arg1, %mul3A : i32
    %add3A = arith.addi %mul3A_0, %arg0 : i32
    %mul3A_1 = arith.constant 2048 : i32
    %mul3A_2 = arith.muli %add3A, %mul3A_1 : i32
    "tpu.region"() ({
      %run_scoped3A = tpu.sem_alloc : memref<!tpu.dma_semaphore, #tpu.memory_space<semaphore_mem>>
      %dma_start3A_196 = tpu.memref_slice %arg3[%mul3A_2] : memref<65536xi32, #tpu.memory_space<hbm>> -> memref<2048xi32, #tpu.memory_space<hbm>>
      %dma_start3A_197 = tpu.memref_slice %arg3[%mul3A_2] : memref<65536xi32, #tpu.memory_space<hbm>> -> memref<2048xi32, #tpu.memory_space<hbm>>
      tpu.enqueue_dma source(%dma_start3A_197 : memref<2048xi32, #tpu.memory_space<hbm>>) target(%arg5 : memref<2048xi32, #tpu.memory_space<vmem>>) target_semaphore(%run_scoped3A : memref<!tpu.dma_semaphore, #tpu.memory_space<semaphore_mem>>)
      %dma_wait3A_198 = tpu.memref_slice %arg3[%mul3A_2] : memref<65536xi32, #tpu.memory_space<hbm>> -> memref<2048xi32, #tpu.memory_space<hbm>>
      %dma_wait3A_199 = tpu.memref_slice %arg3[%mul3A_2] : memref<65536xi32, #tpu.memory_space<hbm>> -> memref<2048xi32, #tpu.memory_space<hbm>>
      tpu.wait_dma2 semaphore(%run_scoped3A : memref<!tpu.dma_semaphore, #tpu.memory_space<semaphore_mem>>) src(%dma_wait3A_199 : memref<2048xi32, #tpu.memory_space<hbm>>) dst(%arg5 : memref<2048xi32, #tpu.memory_space<vmem>>)
      tpu.yield
    }) : () -> ()
    %dma_start3A = arith.constant 0 : i32
    %dma_start3A_3 = arith.constant 0 : i32
    %dma_start3A_4 = arith.constant 0 : i32
    %dma_start3A_5 = arith.constant 0 : i32
    %dma_start3A_6 = tpu.memref_slice %arg6[%dma_start3A, %dma_start3A_4, %dma_start3A_5] : memref<7x128x128xf32, #tpu.memory_space<vmem>> -> memref<1x128x128xf32, #tpu.memory_space<vmem>>
    %dma_start3A_7 = tpu.memref_squeeze %dma_start3A_6 : memref<1x128x128xf32, #tpu.memory_space<vmem>> -> memref<128x128xf32, #tpu.memory_space<vmem>>
    %dma_start3A_8 = arith.constant 0 : i32
    %dma_start3A_9 = tpu.memref_slice %arg5[%dma_start3A_8] : memref<2048xi32, #tpu.memory_space<vmem>> -> memref<128xi32, #tpu.memory_space<vmem>>
    %dma_start3A_10 = arith.constant 0 : i32
    %dma_start3A_11 = arith.constant 0 : i32
    %dma_start3A_12 = tpu.memref_slice %arg2[%dma_start3A_10, %dma_start3A_11] : memref<100000x128xf32, #tpu.memory_space<hbm>> -> memref<100000x128xf32, #tpu.memory_space<hbm>>
    %dma_start3A_13 = tpu.memref_slice %arg7[%dma_start3A_3] : memref<7x!tpu.dma_semaphore, #tpu.memory_space<semaphore_mem>> -> memref<1x!tpu.dma_semaphore, #tpu.memory_space<semaphore_mem>>
    %dma_start3A_14 = tpu.memref_squeeze %dma_start3A_13 : memref<1x!tpu.dma_semaphore, #tpu.memory_space<semaphore_mem>> -> memref<!tpu.dma_semaphore, #tpu.memory_space<semaphore_mem>>
    tpu.enqueue_indirect_dma source(%dma_start3A_12 : memref<100000x128xf32, #tpu.memory_space<hbm>>) target(%dma_start3A_7 : memref<128x128xf32, #tpu.memory_space<vmem>>) offsets(%dma_start3A_9 : memref<128xi32, #tpu.memory_space<vmem>>) semaphore(%dma_start3A_14 : memref<!tpu.dma_semaphore, #tpu.memory_space<semaphore_mem>>)
    %dma_start3A_15 = arith.constant 1 : i32
    %dma_start3A_16 = arith.constant 1 : i32
    %dma_start3A_17 = arith.constant 0 : i32
    %dma_start3A_18 = arith.constant 0 : i32
    %dma_start3A_19 = tpu.memref_slice %arg6[%dma_start3A_15, %dma_start3A_17, %dma_start3A_18] : memref<7x128x128xf32, #tpu.memory_space<vmem>> -> memref<1x128x128xf32, #tpu.memory_space<vmem>>
    %dma_start3A_20 = tpu.memref_squeeze %dma_start3A_19 : memref<1x128x128xf32, #tpu.memory_space<vmem>> -> memref<128x128xf32, #tpu.memory_space<vmem>>
    %dma_start3A_21 = arith.constant 128 : i32
    %dma_start3A_22 = tpu.memref_slice %arg5[%dma_start3A_21] : memref<2048xi32, #tpu.memory_space<vmem>> -> memref<128xi32, #tpu.memory_space<vmem>>
    %dma_start3A_23 = arith.constant 0 : i32
    %dma_start3A_24 = arith.constant 0 : i32
    %dma_start3A_25 = tpu.memref_slice %arg2[%dma_start3A_23, %dma_start3A_24] : memref<100000x128xf32, #tpu.memory_space<hbm>> -> memref<100000x128xf32, #tpu.memory_space<hbm>>
    %dma_start3A_26 = tpu.memref_slice %arg7[%dma_start3A_16] : memref<7x!tpu.dma_semaphore, #tpu.memory_space<semaphore_mem>> -> memref<1x!tpu.dma_semaphore, #tpu.memory_space<semaphore_mem>>
    %dma_start3A_27 = tpu.memref_squeeze %dma_start3A_26 : memref<1x!tpu.dma_semaphore, #tpu.memory_space<semaphore_mem>> -> memref<!tpu.dma_semaphore, #tpu.memory_space<semaphore_mem>>
    tpu.enqueue_indirect_dma source(%dma_start3A_25 : memref<100000x128xf32, #tpu.memory_space<hbm>>) target(%dma_start3A_20 : memref<128x128xf32, #tpu.memory_space<vmem>>) offsets(%dma_start3A_22 : memref<128xi32, #tpu.memory_space<vmem>>) semaphore(%dma_start3A_27 : memref<!tpu.dma_semaphore, #tpu.memory_space<semaphore_mem>>)
    %dma_start3A_28 = arith.constant 2 : i32
    %dma_start3A_29 = arith.constant 2 : i32
    %dma_start3A_30 = arith.constant 0 : i32
    %dma_start3A_31 = arith.constant 0 : i32
    %dma_start3A_32 = tpu.memref_slice %arg6[%dma_start3A_28, %dma_start3A_30, %dma_start3A_31] : memref<7x128x128xf32, #tpu.memory_space<vmem>> -> memref<1x128x128xf32, #tpu.memory_space<vmem>>
    %dma_start3A_33 = tpu.memref_squeeze %dma_start3A_32 : memref<1x128x128xf32, #tpu.memory_space<vmem>> -> memref<128x128xf32, #tpu.memory_space<vmem>>
    %dma_start3A_34 = arith.constant 256 : i32
    %dma_start3A_35 = tpu.memref_slice %arg5[%dma_start3A_34] : memref<2048xi32, #tpu.memory_space<vmem>> -> memref<128xi32, #tpu.memory_space<vmem>>
    %dma_start3A_36 = arith.constant 0 : i32
    %dma_start3A_37 = arith.constant 0 : i32
    %dma_start3A_38 = tpu.memref_slice %arg2[%dma_start3A_36, %dma_start3A_37] : memref<100000x128xf32, #tpu.memory_space<hbm>> -> memref<100000x128xf32, #tpu.memory_space<hbm>>
    %dma_start3A_39 = tpu.memref_slice %arg7[%dma_start3A_29] : memref<7x!tpu.dma_semaphore, #tpu.memory_space<semaphore_mem>> -> memref<1x!tpu.dma_semaphore, #tpu.memory_space<semaphore_mem>>
    %dma_start3A_40 = tpu.memref_squeeze %dma_start3A_39 : memref<1x!tpu.dma_semaphore, #tpu.memory_space<semaphore_mem>> -> memref<!tpu.dma_semaphore, #tpu.memory_space<semaphore_mem>>
    tpu.enqueue_indirect_dma source(%dma_start3A_38 : memref<100000x128xf32, #tpu.memory_space<hbm>>) target(%dma_start3A_33 : memref<128x128xf32, #tpu.memory_space<vmem>>) offsets(%dma_start3A_35 : memref<128xi32, #tpu.memory_space<vmem>>) semaphore(%dma_start3A_40 : memref<!tpu.dma_semaphore, #tpu.memory_space<semaphore_mem>>)
    %dma_start3A_41 = arith.constant 3 : i32
    %dma_start3A_42 = arith.constant 3 : i32
    %dma_start3A_43 = arith.constant 0 : i32
    %dma_start3A_44 = arith.constant 0 : i32
    %dma_start3A_45 = tpu.memref_slice %arg6[%dma_start3A_41, %dma_start3A_43, %dma_start3A_44] : memref<7x128x128xf32, #tpu.memory_space<vmem>> -> memref<1x128x128xf32, #tpu.memory_space<vmem>>
    %dma_start3A_46 = tpu.memref_squeeze %dma_start3A_45 : memref<1x128x128xf32, #tpu.memory_space<vmem>> -> memref<128x128xf32, #tpu.memory_space<vmem>>
    %dma_start3A_47 = arith.constant 384 : i32
    %dma_start3A_48 = tpu.memref_slice %arg5[%dma_start3A_47] : memref<2048xi32, #tpu.memory_space<vmem>> -> memref<128xi32, #tpu.memory_space<vmem>>
    %dma_start3A_49 = arith.constant 0 : i32
    %dma_start3A_50 = arith.constant 0 : i32
    %dma_start3A_51 = tpu.memref_slice %arg2[%dma_start3A_49, %dma_start3A_50] : memref<100000x128xf32, #tpu.memory_space<hbm>> -> memref<100000x128xf32, #tpu.memory_space<hbm>>
    %dma_start3A_52 = tpu.memref_slice %arg7[%dma_start3A_42] : memref<7x!tpu.dma_semaphore, #tpu.memory_space<semaphore_mem>> -> memref<1x!tpu.dma_semaphore, #tpu.memory_space<semaphore_mem>>
    %dma_start3A_53 = tpu.memref_squeeze %dma_start3A_52 : memref<1x!tpu.dma_semaphore, #tpu.memory_space<semaphore_mem>> -> memref<!tpu.dma_semaphore, #tpu.memory_space<semaphore_mem>>
    tpu.enqueue_indirect_dma source(%dma_start3A_51 : memref<100000x128xf32, #tpu.memory_space<hbm>>) target(%dma_start3A_46 : memref<128x128xf32, #tpu.memory_space<vmem>>) offsets(%dma_start3A_48 : memref<128xi32, #tpu.memory_space<vmem>>) semaphore(%dma_start3A_53 : memref<!tpu.dma_semaphore, #tpu.memory_space<semaphore_mem>>)
    %dma_start3A_54 = arith.constant 4 : i32
    %dma_start3A_55 = arith.constant 4 : i32
    %dma_start3A_56 = arith.constant 0 : i32
    %dma_start3A_57 = arith.constant 0 : i32
    %dma_start3A_58 = tpu.memref_slice %arg6[%dma_start3A_54, %dma_start3A_56, %dma_start3A_57] : memref<7x128x128xf32, #tpu.memory_space<vmem>> -> memref<1x128x128xf32, #tpu.memory_space<vmem>>
    %dma_start3A_59 = tpu.memref_squeeze %dma_start3A_58 : memref<1x128x128xf32, #tpu.memory_space<vmem>> -> memref<128x128xf32, #tpu.memory_space<vmem>>
    %dma_start3A_60 = arith.constant 512 : i32
    %dma_start3A_61 = tpu.memref_slice %arg5[%dma_start3A_60] : memref<2048xi32, #tpu.memory_space<vmem>> -> memref<128xi32, #tpu.memory_space<vmem>>
    %dma_start3A_62 = arith.constant 0 : i32
    %dma_start3A_63 = arith.constant 0 : i32
    %dma_start3A_64 = tpu.memref_slice %arg2[%dma_start3A_62, %dma_start3A_63] : memref<100000x128xf32, #tpu.memory_space<hbm>> -> memref<100000x128xf32, #tpu.memory_space<hbm>>
    %dma_start3A_65 = tpu.memref_slice %arg7[%dma_start3A_55] : memref<7x!tpu.dma_semaphore, #tpu.memory_space<semaphore_mem>> -> memref<1x!tpu.dma_semaphore, #tpu.memory_space<semaphore_mem>>
    %dma_start3A_66 = tpu.memref_squeeze %dma_start3A_65 : memref<1x!tpu.dma_semaphore, #tpu.memory_space<semaphore_mem>> -> memref<!tpu.dma_semaphore, #tpu.memory_space<semaphore_mem>>
    tpu.enqueue_indirect_dma source(%dma_start3A_64 : memref<100000x128xf32, #tpu.memory_space<hbm>>) target(%dma_start3A_59 : memref<128x128xf32, #tpu.memory_space<vmem>>) offsets(%dma_start3A_61 : memref<128xi32, #tpu.memory_space<vmem>>) semaphore(%dma_start3A_66 : memref<!tpu.dma_semaphore, #tpu.memory_space<semaphore_mem>>)
    %dma_start3A_67 = arith.constant 5 : i32
    %dma_start3A_68 = arith.constant 5 : i32
    %dma_start3A_69 = arith.constant 0 : i32
    %dma_start3A_70 = arith.constant 0 : i32
    %dma_start3A_71 = tpu.memref_slice %arg6[%dma_start3A_67, %dma_start3A_69, %dma_start3A_70] : memref<7x128x128xf32, #tpu.memory_space<vmem>> -> memref<1x128x128xf32, #tpu.memory_space<vmem>>
    %dma_start3A_72 = tpu.memref_squeeze %dma_start3A_71 : memref<1x128x128xf32, #tpu.memory_space<vmem>> -> memref<128x128xf32, #tpu.memory_space<vmem>>
    %dma_start3A_73 = arith.constant 640 : i32
    %dma_start3A_74 = tpu.memref_slice %arg5[%dma_start3A_73] : memref<2048xi32, #tpu.memory_space<vmem>> -> memref<128xi32, #tpu.memory_space<vmem>>
    %dma_start3A_75 = arith.constant 0 : i32
    %dma_start3A_76 = arith.constant 0 : i32
    %dma_start3A_77 = tpu.memref_slice %arg2[%dma_start3A_75, %dma_start3A_76] : memref<100000x128xf32, #tpu.memory_space<hbm>> -> memref<100000x128xf32, #tpu.memory_space<hbm>>
    %dma_start3A_78 = tpu.memref_slice %arg7[%dma_start3A_68] : memref<7x!tpu.dma_semaphore, #tpu.memory_space<semaphore_mem>> -> memref<1x!tpu.dma_semaphore, #tpu.memory_space<semaphore_mem>>
    %dma_start3A_79 = tpu.memref_squeeze %dma_start3A_78 : memref<1x!tpu.dma_semaphore, #tpu.memory_space<semaphore_mem>> -> memref<!tpu.dma_semaphore, #tpu.memory_space<semaphore_mem>>
    tpu.enqueue_indirect_dma source(%dma_start3A_77 : memref<100000x128xf32, #tpu.memory_space<hbm>>) target(%dma_start3A_72 : memref<128x128xf32, #tpu.memory_space<vmem>>) offsets(%dma_start3A_74 : memref<128xi32, #tpu.memory_space<vmem>>) semaphore(%dma_start3A_79 : memref<!tpu.dma_semaphore, #tpu.memory_space<semaphore_mem>>)
    %scan3A = arith.constant 0 : i32
    %scan3A_80 = arith.constant 0 : i32
    %scan3A_81 = arith.constant 16 : i32
    %scan3A_82 = arith.addi %scan3A_80, %scan3A_81 : i32
    %scan3A_83 = arith.constant 1 : i32
    scf.for %scan3A_196 = %scan3A_80 to %scan3A_82 step %scan3A_83  : i32 {
      %rem3A = arith.constant 7 : i32
      %rem3A_197 = arith.remsi %scan3A_196, %rem3A : i32
      %dma_wait3A_198 = arith.constant 0 : i32
      %dma_wait3A_199 = arith.constant 0 : i32
      %dma_wait3A_200 = tpu.memref_slice %arg6[%rem3A_197, %dma_wait3A_198, %dma_wait3A_199] : memref<7x128x128xf32, #tpu.memory_space<vmem>> -> memref<1x128x128xf32, #tpu.memory_space<vmem>>
      %dma_wait3A_201 = tpu.memref_squeeze %dma_wait3A_200 : memref<1x128x128xf32, #tpu.memory_space<vmem>> -> memref<128x128xf32, #tpu.memory_space<vmem>>
      %dma_wait3A_202 = arith.constant 0 : i32
      %dma_wait3A_203 = arith.constant 0 : i32
      %dma_wait3A_204 = tpu.memref_slice %arg2[%dma_wait3A_202, %dma_wait3A_203] : memref<100000x128xf32, #tpu.memory_space<hbm>> -> memref<128x128xf32, #tpu.memory_space<hbm>>
      %dma_wait3A_205 = tpu.memref_slice %arg7[%rem3A_197] : memref<7x!tpu.dma_semaphore, #tpu.memory_space<semaphore_mem>> -> memref<1x!tpu.dma_semaphore, #tpu.memory_space<semaphore_mem>>
      %dma_wait3A_206 = tpu.memref_squeeze %dma_wait3A_205 : memref<1x!tpu.dma_semaphore, #tpu.memory_space<semaphore_mem>> -> memref<!tpu.dma_semaphore, #tpu.memory_space<semaphore_mem>>
      %dma_wait3A_207 = arith.constant 0 : i32
      %dma_wait3A_208 = arith.constant 0 : i32
      %dma_wait3A_209 = tpu.memref_slice %arg6[%rem3A_197, %dma_wait3A_207, %dma_wait3A_208] : memref<7x128x128xf32, #tpu.memory_space<vmem>> -> memref<1x128x128xf32, #tpu.memory_space<vmem>>
      %dma_wait3A_210 = tpu.memref_squeeze %dma_wait3A_209 : memref<1x128x128xf32, #tpu.memory_space<vmem>> -> memref<128x128xf32, #tpu.memory_space<vmem>>
      %dma_wait3A_211 = arith.constant 0 : i32
      %dma_wait3A_212 = arith.constant 0 : i32
      %dma_wait3A_213 = tpu.memref_slice %arg2[%dma_wait3A_211, %dma_wait3A_212] : memref<100000x128xf32, #tpu.memory_space<hbm>> -> memref<128x128xf32, #tpu.memory_space<hbm>>
      tpu.wait_dma2 semaphore(%dma_wait3A_206 : memref<!tpu.dma_semaphore, #tpu.memory_space<semaphore_mem>>) src(%dma_wait3A_213 : memref<128x128xf32, #tpu.memory_space<hbm>>) dst(%dma_wait3A_210 : memref<128x128xf32, #tpu.memory_space<vmem>>)
      %mul3A_214 = arith.constant 128 : i32
      %mul3A_215 = arith.muli %scan3A_196, %mul3A_214 : i32
      %add3A_216 = arith.addi %mul3A_2, %mul3A_215 : i32
      %dma_start3A_217 = arith.constant 0 : i32
      %dma_start3A_218 = arith.constant 0 : i32
      %dma_start3A_219 = tpu.memref_slice %arg6[%rem3A_197, %dma_start3A_217, %dma_start3A_218] : memref<7x128x128xf32, #tpu.memory_space<vmem>> -> memref<1x128x128xf32, #tpu.memory_space<vmem>>
      %dma_start3A_220 = tpu.memref_squeeze %dma_start3A_219 : memref<1x128x128xf32, #tpu.memory_space<vmem>> -> memref<128x128xf32, #tpu.memory_space<vmem>>
      %dma_start3A_221 = arith.constant 0 : i32
      %dma_start3A_222 = tpu.memref_slice %arg4[%add3A_216, %dma_start3A_221] : memref<65536x128xf32, #tpu.memory_space<hbm>> -> memref<128x128xf32, #tpu.memory_space<hbm>>
      %dma_start3A_223 = tpu.memref_slice %arg8[%rem3A_197] : memref<7x!tpu.dma_semaphore, #tpu.memory_space<semaphore_mem>> -> memref<1x!tpu.dma_semaphore, #tpu.memory_space<semaphore_mem>>
      %dma_start3A_224 = tpu.memref_squeeze %dma_start3A_223 : memref<1x!tpu.dma_semaphore, #tpu.memory_space<semaphore_mem>> -> memref<!tpu.dma_semaphore, #tpu.memory_space<semaphore_mem>>
      %dma_start3A_225 = arith.constant 0 : i32
      %dma_start3A_226 = tpu.memref_slice %arg4[%add3A_216, %dma_start3A_225] : memref<65536x128xf32, #tpu.memory_space<hbm>> -> memref<128x128xf32, #tpu.memory_space<hbm>>
      %dma_start3A_227 = arith.constant 0 : i32
      %dma_start3A_228 = arith.constant 0 : i32
      %dma_start3A_229 = tpu.memref_slice %arg6[%rem3A_197, %dma_start3A_227, %dma_start3A_228] : memref<7x128x128xf32, #tpu.memory_space<vmem>> -> memref<1x128x128xf32, #tpu.memory_space<vmem>>
      %dma_start3A_230 = tpu.memref_squeeze %dma_start3A_229 : memref<1x128x128xf32, #tpu.memory_space<vmem>> -> memref<128x128xf32, #tpu.memory_space<vmem>>
      tpu.enqueue_dma source(%dma_start3A_230 : memref<128x128xf32, #tpu.memory_space<vmem>>) target(%dma_start3A_226 : memref<128x128xf32, #tpu.memory_space<hbm>>) target_semaphore(%dma_start3A_224 : memref<!tpu.dma_semaphore, #tpu.memory_space<semaphore_mem>>)
      %add3A_231 = arith.constant 6 : i32
      %add3A_232 = arith.addi %scan3A_196, %add3A_231 : i32
      %rem3A_233 = arith.constant 7 : i32
      %rem3A_234 = arith.remsi %add3A_232, %rem3A_233 : i32
      %ge3A = arith.constant 1 : i32
      %ge3A_235 = arith.cmpi sge, %scan3A_196, %ge3A : i32
      %lt3A = arith.constant 16 : i32
      %lt3A_236 = arith.cmpi slt, %add3A_232, %lt3A : i32
      %and3A = arith.andi %ge3A_235, %lt3A_236 : i1
      %convert_element_type3A = arith.extui %and3A : i1 to i32
      %cond3A = arith.constant 0 : i32
      %cond3A_237 = arith.cmpi ne, %convert_element_type3A, %cond3A : i32
      scf.if %cond3A_237 {
        %dma_wait3A_243 = arith.constant 0 : i32
        %dma_wait3A_244 = arith.constant 0 : i32
        %dma_wait3A_245 = tpu.memref_slice %arg6[%rem3A_234, %dma_wait3A_243, %dma_wait3A_244] : memref<7x128x128xf32, #tpu.memory_space<vmem>> -> memref<1x128x128xf32, #tpu.memory_space<vmem>>
        %dma_wait3A_246 = tpu.memref_squeeze %dma_wait3A_245 : memref<1x128x128xf32, #tpu.memory_space<vmem>> -> memref<128x128xf32, #tpu.memory_space<vmem>>
        %dma_wait3A_247 = arith.constant 0 : i32
        %dma_wait3A_248 = tpu.memref_slice %arg4[%mul3A_2, %dma_wait3A_247] : memref<65536x128xf32, #tpu.memory_space<hbm>> -> memref<128x128xf32, #tpu.memory_space<hbm>>
        %dma_wait3A_249 = tpu.memref_slice %arg8[%rem3A_234] : memref<7x!tpu.dma_semaphore, #tpu.memory_space<semaphore_mem>> -> memref<1x!tpu.dma_semaphore, #tpu.memory_space<semaphore_mem>>
        %dma_wait3A_250 = tpu.memref_squeeze %dma_wait3A_249 : memref<1x!tpu.dma_semaphore, #tpu.memory_space<semaphore_mem>> -> memref<!tpu.dma_semaphore, #tpu.memory_space<semaphore_mem>>
        %dma_wait3A_251 = arith.constant 0 : i32
        %dma_wait3A_252 = tpu.memref_slice %arg4[%mul3A_2, %dma_wait3A_251] : memref<65536x128xf32, #tpu.memory_space<hbm>> -> memref<128x128xf32, #tpu.memory_space<hbm>>
        %dma_wait3A_253 = arith.constant 0 : i32
        %dma_wait3A_254 = arith.constant 0 : i32
        %dma_wait3A_255 = tpu.memref_slice %arg6[%rem3A_234, %dma_wait3A_253, %dma_wait3A_254] : memref<7x128x128xf32, #tpu.memory_space<vmem>> -> memref<1x128x128xf32, #tpu.memory_space<vmem>>
        %dma_wait3A_256 = tpu.memref_squeeze %dma_wait3A_255 : memref<1x128x128xf32, #tpu.memory_space<vmem>> -> memref<128x128xf32, #tpu.memory_space<vmem>>
        tpu.wait_dma2 semaphore(%dma_wait3A_250 : memref<!tpu.dma_semaphore, #tpu.memory_space<semaphore_mem>>) src(%dma_wait3A_256 : memref<128x128xf32, #tpu.memory_space<vmem>>) dst(%dma_wait3A_252 : memref<128x128xf32, #tpu.memory_space<hbm>>)
      } else {
      }
      %lt3A_238 = arith.constant 16 : i32
      %lt3A_239 = arith.cmpi slt, %add3A_232, %lt3A_238 : i32
      %convert_element_type3A_240 = arith.extui %lt3A_239 : i1 to i32
      %cond3A_241 = arith.constant 0 : i32
      %cond3A_242 = arith.cmpi ne, %convert_element_type3A_240, %cond3A_241 : i32
      scf.if %cond3A_242 {
        %mul3A_243 = arith.constant 128 : i32
        %mul3A_244 = arith.muli %add3A_232, %mul3A_243 : i32
        %dma_start3A_245 = arith.constant 0 : i32
        %dma_start3A_246 = arith.constant 0 : i32
        %dma_start3A_247 = tpu.memref_slice %arg6[%rem3A_234, %dma_start3A_245, %dma_start3A_246] : memref<7x128x128xf32, #tpu.memory_space<vmem>> -> memref<1x128x128xf32, #tpu.memory_space<vmem>>
        %dma_start3A_248 = tpu.memref_squeeze %dma_start3A_247 : memref<1x128x128xf32, #tpu.memory_space<vmem>> -> memref<128x128xf32, #tpu.memory_space<vmem>>
        %dma_start3A_249 = tpu.memref_slice %arg5[%mul3A_244] : memref<2048xi32, #tpu.memory_space<vmem>> -> memref<128xi32, #tpu.memory_space<vmem>>
        %dma_start3A_250 = arith.constant 0 : i32
        %dma_start3A_251 = arith.constant 0 : i32
        %dma_start3A_252 = tpu.memref_slice %arg2[%dma_start3A_250, %dma_start3A_251] : memref<100000x128xf32, #tpu.memory_space<hbm>> -> memref<100000x128xf32, #tpu.memory_space<hbm>>
        %dma_start3A_253 = tpu.memref_slice %arg7[%rem3A_234] : memref<7x!tpu.dma_semaphore, #tpu.memory_space<semaphore_mem>> -> memref<1x!tpu.dma_semaphore, #tpu.memory_space<semaphore_mem>>
        %dma_start3A_254 = tpu.memref_squeeze %dma_start3A_253 : memref<1x!tpu.dma_semaphore, #tpu.memory_space<semaphore_mem>> -> memref<!tpu.dma_semaphore, #tpu.memory_space<semaphore_mem>>
        tpu.enqueue_indirect_dma source(%dma_start3A_252 : memref<100000x128xf32, #tpu.memory_space<hbm>>) target(%dma_start3A_248 : memref<128x128xf32, #tpu.memory_space<vmem>>) offsets(%dma_start3A_249 : memref<128xi32, #tpu.memory_space<vmem>>) semaphore(%dma_start3A_254 : memref<!tpu.dma_semaphore, #tpu.memory_space<semaphore_mem>>)
      } else {
      }
    }
    %scan3A_84 = arith.constant 16 : i32
    %dma_wait3A = arith.constant 0 : i32
    %dma_wait3A_85 = arith.constant 0 : i32
    %dma_wait3A_86 = arith.constant 0 : i32
    %dma_wait3A_87 = arith.constant 0 : i32
    %dma_wait3A_88 = tpu.memref_slice %arg6[%dma_wait3A, %dma_wait3A_86, %dma_wait3A_87] : memref<7x128x128xf32, #tpu.memory_space<vmem>> -> memref<1x128x128xf32, #tpu.memory_space<vmem>>
    %dma_wait3A_89 = tpu.memref_squeeze %dma_wait3A_88 : memref<1x128x128xf32, #tpu.memory_space<vmem>> -> memref<128x128xf32, #tpu.memory_space<vmem>>
    %dma_wait3A_90 = arith.constant 0 : i32
    %dma_wait3A_91 = tpu.memref_slice %arg4[%mul3A_2, %dma_wait3A_90] : memref<65536x128xf32, #tpu.memory_space<hbm>> -> memref<128x128xf32, #tpu.memory_space<hbm>>
    %dma_wait3A_92 = tpu.memref_slice %arg8[%dma_wait3A_85] : memref<7x!tpu.dma_semaphore, #tpu.memory_space<semaphore_mem>> -> memref<1x!tpu.dma_semaphore, #tpu.memory_space<semaphore_mem>>
    %dma_wait3A_93 = tpu.memref_squeeze %dma_wait3A_92 : memref<1x!tpu.dma_semaphore, #tpu.memory_space<semaphore_mem>> -> memref<!tpu.dma_semaphore, #tpu.memory_space<semaphore_mem>>
    %dma_wait3A_94 = arith.constant 0 : i32
    %dma_wait3A_95 = tpu.memref_slice %arg4[%mul3A_2, %dma_wait3A_94] : memref<65536x128xf32, #tpu.memory_space<hbm>> -> memref<128x128xf32, #tpu.memory_space<hbm>>
    %dma_wait3A_96 = arith.constant 0 : i32
    %dma_wait3A_97 = arith.constant 0 : i32
    %dma_wait3A_98 = tpu.memref_slice %arg6[%dma_wait3A, %dma_wait3A_96, %dma_wait3A_97] : memref<7x128x128xf32, #tpu.memory_space<vmem>> -> memref<1x128x128xf32, #tpu.memory_space<vmem>>
    %dma_wait3A_99 = tpu.memref_squeeze %dma_wait3A_98 : memref<1x128x128xf32, #tpu.memory_space<vmem>> -> memref<128x128xf32, #tpu.memory_space<vmem>>
    tpu.wait_dma2 semaphore(%dma_wait3A_93 : memref<!tpu.dma_semaphore, #tpu.memory_space<semaphore_mem>>) src(%dma_wait3A_99 : memref<128x128xf32, #tpu.memory_space<vmem>>) dst(%dma_wait3A_95 : memref<128x128xf32, #tpu.memory_space<hbm>>)
    %dma_wait3A_100 = arith.constant 1 : i32
    %dma_wait3A_101 = arith.constant 1 : i32
    %dma_wait3A_102 = arith.constant 0 : i32
    %dma_wait3A_103 = arith.constant 0 : i32
    %dma_wait3A_104 = tpu.memref_slice %arg6[%dma_wait3A_100, %dma_wait3A_102, %dma_wait3A_103] : memref<7x128x128xf32, #tpu.memory_space<vmem>> -> memref<1x128x128xf32, #tpu.memory_space<vmem>>
    %dma_wait3A_105 = tpu.memref_squeeze %dma_wait3A_104 : memref<1x128x128xf32, #tpu.memory_space<vmem>> -> memref<128x128xf32, #tpu.memory_space<vmem>>
    %dma_wait3A_106 = arith.constant 0 : i32
    %dma_wait3A_107 = tpu.memref_slice %arg4[%mul3A_2, %dma_wait3A_106] : memref<65536x128xf32, #tpu.memory_space<hbm>> -> memref<128x128xf32, #tpu.memory_space<hbm>>
    %dma_wait3A_108 = tpu.memref_slice %arg8[%dma_wait3A_101] : memref<7x!tpu.dma_semaphore, #tpu.memory_space<semaphore_mem>> -> memref<1x!tpu.dma_semaphore, #tpu.memory_space<semaphore_mem>>
    %dma_wait3A_109 = tpu.memref_squeeze %dma_wait3A_108 : memref<1x!tpu.dma_semaphore, #tpu.memory_space<semaphore_mem>> -> memref<!tpu.dma_semaphore, #tpu.memory_space<semaphore_mem>>
    %dma_wait3A_110 = arith.constant 0 : i32
    %dma_wait3A_111 = tpu.memref_slice %arg4[%mul3A_2, %dma_wait3A_110] : memref<65536x128xf32, #tpu.memory_space<hbm>> -> memref<128x128xf32, #tpu.memory_space<hbm>>
    %dma_wait3A_112 = arith.constant 0 : i32
    %dma_wait3A_113 = arith.constant 0 : i32
    %dma_wait3A_114 = tpu.memref_slice %arg6[%dma_wait3A_100, %dma_wait3A_112, %dma_wait3A_113] : memref<7x128x128xf32, #tpu.memory_space<vmem>> -> memref<1x128x128xf32, #tpu.memory_space<vmem>>
    %dma_wait3A_115 = tpu.memref_squeeze %dma_wait3A_114 : memref<1x128x128xf32, #tpu.memory_space<vmem>> -> memref<128x128xf32, #tpu.memory_space<vmem>>
    tpu.wait_dma2 semaphore(%dma_wait3A_109 : memref<!tpu.dma_semaphore, #tpu.memory_space<semaphore_mem>>) src(%dma_wait3A_115 : memref<128x128xf32, #tpu.memory_space<vmem>>) dst(%dma_wait3A_111 : memref<128x128xf32, #tpu.memory_space<hbm>>)
    %dma_wait3A_116 = arith.constant 2 : i32
    %dma_wait3A_117 = arith.constant 2 : i32
    %dma_wait3A_118 = arith.constant 0 : i32
    %dma_wait3A_119 = arith.constant 0 : i32
    %dma_wait3A_120 = tpu.memref_slice %arg6[%dma_wait3A_116, %dma_wait3A_118, %dma_wait3A_119] : memref<7x128x128xf32, #tpu.memory_space<vmem>> -> memref<1x128x128xf32, #tpu.memory_space<vmem>>
    %dma_wait3A_121 = tpu.memref_squeeze %dma_wait3A_120 : memref<1x128x128xf32, #tpu.memory_space<vmem>> -> memref<128x128xf32, #tpu.memory_space<vmem>>
    %dma_wait3A_122 = arith.constant 0 : i32
    %dma_wait3A_123 = tpu.memref_slice %arg4[%mul3A_2, %dma_wait3A_122] : memref<65536x128xf32, #tpu.memory_space<hbm>> -> memref<128x128xf32, #tpu.memory_space<hbm>>
    %dma_wait3A_124 = tpu.memref_slice %arg8[%dma_wait3A_117] : memref<7x!tpu.dma_semaphore, #tpu.memory_space<semaphore_mem>> -> memref<1x!tpu.dma_semaphore, #tpu.memory_space<semaphore_mem>>
    %dma_wait3A_125 = tpu.memref_squeeze %dma_wait3A_124 : memref<1x!tpu.dma_semaphore, #tpu.memory_space<semaphore_mem>> -> memref<!tpu.dma_semaphore, #tpu.memory_space<semaphore_mem>>
    %dma_wait3A_126 = arith.constant 0 : i32
    %dma_wait3A_127 = tpu.memref_slice %arg4[%mul3A_2, %dma_wait3A_126] : memref<65536x128xf32, #tpu.memory_space<hbm>> -> memref<128x128xf32, #tpu.memory_space<hbm>>
    %dma_wait3A_128 = arith.constant 0 : i32
    %dma_wait3A_129 = arith.constant 0 : i32
    %dma_wait3A_130 = tpu.memref_slice %arg6[%dma_wait3A_116, %dma_wait3A_128, %dma_wait3A_129] : memref<7x128x128xf32, #tpu.memory_space<vmem>> -> memref<1x128x128xf32, #tpu.memory_space<vmem>>
    %dma_wait3A_131 = tpu.memref_squeeze %dma_wait3A_130 : memref<1x128x128xf32, #tpu.memory_space<vmem>> -> memref<128x128xf32, #tpu.memory_space<vmem>>
    tpu.wait_dma2 semaphore(%dma_wait3A_125 : memref<!tpu.dma_semaphore, #tpu.memory_space<semaphore_mem>>) src(%dma_wait3A_131 : memref<128x128xf32, #tpu.memory_space<vmem>>) dst(%dma_wait3A_127 : memref<128x128xf32, #tpu.memory_space<hbm>>)
    %dma_wait3A_132 = arith.constant 3 : i32
    %dma_wait3A_133 = arith.constant 3 : i32
    %dma_wait3A_134 = arith.constant 0 : i32
    %dma_wait3A_135 = arith.constant 0 : i32
    %dma_wait3A_136 = tpu.memref_slice %arg6[%dma_wait3A_132, %dma_wait3A_134, %dma_wait3A_135] : memref<7x128x128xf32, #tpu.memory_space<vmem>> -> memref<1x128x128xf32, #tpu.memory_space<vmem>>
    %dma_wait3A_137 = tpu.memref_squeeze %dma_wait3A_136 : memref<1x128x128xf32, #tpu.memory_space<vmem>> -> memref<128x128xf32, #tpu.memory_space<vmem>>
    %dma_wait3A_138 = arith.constant 0 : i32
    %dma_wait3A_139 = tpu.memref_slice %arg4[%mul3A_2, %dma_wait3A_138] : memref<65536x128xf32, #tpu.memory_space<hbm>> -> memref<128x128xf32, #tpu.memory_space<hbm>>
    %dma_wait3A_140 = tpu.memref_slice %arg8[%dma_wait3A_133] : memref<7x!tpu.dma_semaphore, #tpu.memory_space<semaphore_mem>> -> memref<1x!tpu.dma_semaphore, #tpu.memory_space<semaphore_mem>>
    %dma_wait3A_141 = tpu.memref_squeeze %dma_wait3A_140 : memref<1x!tpu.dma_semaphore, #tpu.memory_space<semaphore_mem>> -> memref<!tpu.dma_semaphore, #tpu.memory_space<semaphore_mem>>
    %dma_wait3A_142 = arith.constant 0 : i32
    %dma_wait3A_143 = tpu.memref_slice %arg4[%mul3A_2, %dma_wait3A_142] : memref<65536x128xf32, #tpu.memory_space<hbm>> -> memref<128x128xf32, #tpu.memory_space<hbm>>
    %dma_wait3A_144 = arith.constant 0 : i32
    %dma_wait3A_145 = arith.constant 0 : i32
    %dma_wait3A_146 = tpu.memref_slice %arg6[%dma_wait3A_132, %dma_wait3A_144, %dma_wait3A_145] : memref<7x128x128xf32, #tpu.memory_space<vmem>> -> memref<1x128x128xf32, #tpu.memory_space<vmem>>
    %dma_wait3A_147 = tpu.memref_squeeze %dma_wait3A_146 : memref<1x128x128xf32, #tpu.memory_space<vmem>> -> memref<128x128xf32, #tpu.memory_space<vmem>>
    tpu.wait_dma2 semaphore(%dma_wait3A_141 : memref<!tpu.dma_semaphore, #tpu.memory_space<semaphore_mem>>) src(%dma_wait3A_147 : memref<128x128xf32, #tpu.memory_space<vmem>>) dst(%dma_wait3A_143 : memref<128x128xf32, #tpu.memory_space<hbm>>)
    %dma_wait3A_148 = arith.constant 4 : i32
    %dma_wait3A_149 = arith.constant 4 : i32
    %dma_wait3A_150 = arith.constant 0 : i32
    %dma_wait3A_151 = arith.constant 0 : i32
    %dma_wait3A_152 = tpu.memref_slice %arg6[%dma_wait3A_148, %dma_wait3A_150, %dma_wait3A_151] : memref<7x128x128xf32, #tpu.memory_space<vmem>> -> memref<1x128x128xf32, #tpu.memory_space<vmem>>
    %dma_wait3A_153 = tpu.memref_squeeze %dma_wait3A_152 : memref<1x128x128xf32, #tpu.memory_space<vmem>> -> memref<128x128xf32, #tpu.memory_space<vmem>>
    %dma_wait3A_154 = arith.constant 0 : i32
    %dma_wait3A_155 = tpu.memref_slice %arg4[%mul3A_2, %dma_wait3A_154] : memref<65536x128xf32, #tpu.memory_space<hbm>> -> memref<128x128xf32, #tpu.memory_space<hbm>>
    %dma_wait3A_156 = tpu.memref_slice %arg8[%dma_wait3A_149] : memref<7x!tpu.dma_semaphore, #tpu.memory_space<semaphore_mem>> -> memref<1x!tpu.dma_semaphore, #tpu.memory_space<semaphore_mem>>
    %dma_wait3A_157 = tpu.memref_squeeze %dma_wait3A_156 : memref<1x!tpu.dma_semaphore, #tpu.memory_space<semaphore_mem>> -> memref<!tpu.dma_semaphore, #tpu.memory_space<semaphore_mem>>
    %dma_wait3A_158 = arith.constant 0 : i32
    %dma_wait3A_159 = tpu.memref_slice %arg4[%mul3A_2, %dma_wait3A_158] : memref<65536x128xf32, #tpu.memory_space<hbm>> -> memref<128x128xf32, #tpu.memory_space<hbm>>
    %dma_wait3A_160 = arith.constant 0 : i32
    %dma_wait3A_161 = arith.constant 0 : i32
    %dma_wait3A_162 = tpu.memref_slice %arg6[%dma_wait3A_148, %dma_wait3A_160, %dma_wait3A_161] : memref<7x128x128xf32, #tpu.memory_space<vmem>> -> memref<1x128x128xf32, #tpu.memory_space<vmem>>
    %dma_wait3A_163 = tpu.memref_squeeze %dma_wait3A_162 : memref<1x128x128xf32, #tpu.memory_space<vmem>> -> memref<128x128xf32, #tpu.memory_space<vmem>>
    tpu.wait_dma2 semaphore(%dma_wait3A_157 : memref<!tpu.dma_semaphore, #tpu.memory_space<semaphore_mem>>) src(%dma_wait3A_163 : memref<128x128xf32, #tpu.memory_space<vmem>>) dst(%dma_wait3A_159 : memref<128x128xf32, #tpu.memory_space<hbm>>)
    %dma_wait3A_164 = arith.constant 5 : i32
    %dma_wait3A_165 = arith.constant 5 : i32
    %dma_wait3A_166 = arith.constant 0 : i32
    %dma_wait3A_167 = arith.constant 0 : i32
    %dma_wait3A_168 = tpu.memref_slice %arg6[%dma_wait3A_164, %dma_wait3A_166, %dma_wait3A_167] : memref<7x128x128xf32, #tpu.memory_space<vmem>> -> memref<1x128x128xf32, #tpu.memory_space<vmem>>
    %dma_wait3A_169 = tpu.memref_squeeze %dma_wait3A_168 : memref<1x128x128xf32, #tpu.memory_space<vmem>> -> memref<128x128xf32, #tpu.memory_space<vmem>>
    %dma_wait3A_170 = arith.constant 0 : i32
    %dma_wait3A_171 = tpu.memref_slice %arg4[%mul3A_2, %dma_wait3A_170] : memref<65536x128xf32, #tpu.memory_space<hbm>> -> memref<128x128xf32, #tpu.memory_space<hbm>>
    %dma_wait3A_172 = tpu.memref_slice %arg8[%dma_wait3A_165] : memref<7x!tpu.dma_semaphore, #tpu.memory_space<semaphore_mem>> -> memref<1x!tpu.dma_semaphore, #tpu.memory_space<semaphore_mem>>
    %dma_wait3A_173 = tpu.memref_squeeze %dma_wait3A_172 : memref<1x!tpu.dma_semaphore, #tpu.memory_space<semaphore_mem>> -> memref<!tpu.dma_semaphore, #tpu.memory_space<semaphore_mem>>
    %dma_wait3A_174 = arith.constant 0 : i32
    %dma_wait3A_175 = tpu.memref_slice %arg4[%mul3A_2, %dma_wait3A_174] : memref<65536x128xf32, #tpu.memory_space<hbm>> -> memref<128x128xf32, #tpu.memory_space<hbm>>
    %dma_wait3A_176 = arith.constant 0 : i32
    %dma_wait3A_177 = arith.constant 0 : i32
    %dma_wait3A_178 = tpu.memref_slice %arg6[%dma_wait3A_164, %dma_wait3A_176, %dma_wait3A_177] : memref<7x128x128xf32, #tpu.memory_space<vmem>> -> memref<1x128x128xf32, #tpu.memory_space<vmem>>
    %dma_wait3A_179 = tpu.memref_squeeze %dma_wait3A_178 : memref<1x128x128xf32, #tpu.memory_space<vmem>> -> memref<128x128xf32, #tpu.memory_space<vmem>>
    tpu.wait_dma2 semaphore(%dma_wait3A_173 : memref<!tpu.dma_semaphore, #tpu.memory_space<semaphore_mem>>) src(%dma_wait3A_179 : memref<128x128xf32, #tpu.memory_space<vmem>>) dst(%dma_wait3A_175 : memref<128x128xf32, #tpu.memory_space<hbm>>)
    %dma_wait3A_180 = arith.constant 6 : i32
    %dma_wait3A_181 = arith.constant 6 : i32
    %dma_wait3A_182 = arith.constant 0 : i32
    %dma_wait3A_183 = arith.constant 0 : i32
    %dma_wait3A_184 = tpu.memref_slice %arg6[%dma_wait3A_180, %dma_wait3A_182, %dma_wait3A_183] : memref<7x128x128xf32, #tpu.memory_space<vmem>> -> memref<1x128x128xf32, #tpu.memory_space<vmem>>
    %dma_wait3A_185 = tpu.memref_squeeze %dma_wait3A_184 : memref<1x128x128xf32, #tpu.memory_space<vmem>> -> memref<128x128xf32, #tpu.memory_space<vmem>>
    %dma_wait3A_186 = arith.constant 0 : i32
    %dma_wait3A_187 = tpu.memref_slice %arg4[%mul3A_2, %dma_wait3A_186] : memref<65536x128xf32, #tpu.memory_space<hbm>> -> memref<128x128xf32, #tpu.memory_space<hbm>>
    %dma_wait3A_188 = tpu.memref_slice %arg8[%dma_wait3A_181] : memref<7x!tpu.dma_semaphore, #tpu.memory_space<semaphore_mem>> -> memref<1x!tpu.dma_semaphore, #tpu.memory_space<semaphore_mem>>
    %dma_wait3A_189 = tpu.memref_squeeze %dma_wait3A_188 : memref<1x!tpu.dma_semaphore, #tpu.memory_space<semaphore_mem>> -> memref<!tpu.dma_semaphore, #tpu.memory_space<semaphore_mem>>
    %dma_wait3A_190 = arith.constant 0 : i32
    %dma_wait3A_191 = tpu.memref_slice %arg4[%mul3A_2, %dma_wait3A_190] : memref<65536x128xf32, #tpu.memory_space<hbm>> -> memref<128x128xf32, #tpu.memory_space<hbm>>
    %dma_wait3A_192 = arith.constant 0 : i32
    %dma_wait3A_193 = arith.constant 0 : i32
    %dma_wait3A_194 = tpu.memref_slice %arg6[%dma_wait3A_180, %dma_wait3A_192, %dma_wait3A_193] : memref<7x128x128xf32, #tpu.memory_space<vmem>> -> memref<1x128x128xf32, #tpu.memory_space<vmem>>
    %dma_wait3A_195 = tpu.memref_squeeze %dma_wait3A_194 : memref<1x128x128xf32, #tpu.memory_space<vmem>> -> memref<128x128xf32, #tpu.memory_space<vmem>>
    tpu.wait_dma2 semaphore(%dma_wait3A_189 : memref<!tpu.dma_semaphore, #tpu.memory_space<semaphore_mem>>) src(%dma_wait3A_195 : memref<128x128xf32, #tpu.memory_space<vmem>>) dst(%dma_wait3A_191 : memref<128x128xf32, #tpu.memory_space<hbm>>)
    return
  }
}

</mosaic_0001>

<sc_bundles>
// kernel: kernel.3.cloned.1.call-start
scs
__scs_entry_jumppad:
0x0: {  	(pc) =	sbr.rel $0x88, $3  }
0x1: {  	(tag) =	ssettag $0x0;
	lr =	simm.s32 $0x1  }
0x2: {  	[smem:$0x3F9F] =	sst lr;
	_ =	strace $0xD0000000  }
0x3: {  	_ = 	snop  }
0x4: {  	_ = 	snop  }
0x5: {  	_ = 	snop  }
0x6: {  	_ = 	snop  }
0x7: {  	_ = 	snop  }
__scs_overlays_trampoline_lowered:
0x8: {  	[smem:$0x3FAE] =	sst s0  }
0x9: {  	[smem:$0x3FAF] =	sst s1  }
0xa: {  	[smem:$0x3FB0] =	sst s2  }
0xb: {  	[smem:$0x3FB1] =	sst s3  }
0xc: {  	[smem:$0x3FB2] =	sst s4  }
0xd: {  	[smem:$0x3FB3] =	sst s5  }
0xe: {  	[smem:$0x3FB4] =	sst s6  }
0xf: {  	[smem:$0x3FB5] =	sst s7  }
0x10: {  	[smem:$0x3FB6] =	sst s8  }
0x11: {  	[smem:$0x3FB7] =	sst s9;
	s0 =	simm.s32 @!p0 $0x0  }
0x12: {  	s1 =	sld [smem:$0x3F9D];
	s0 =	simm.s32 @p0 $0x1  }
0x13: {  	[smem:$0x3FB8] =	sst s0;
	s0 =	simm.s32 @!p1 $0x0  }
0x14: {  	s2 =	sld [smem:$0x3F9C];
	s0 =	simm.s32 @p1 $0x1  }
0x15: {  	[smem:$0x3FB9] =	sst s0;
	s0 =	simm.s32 @!p2 $0x0  }
0x16: {  	s3 =	sld [smem:$0x3FDB];
	s0 =	simm.s32 @p2 $0x1  }
0x17: {  	s4 =	simm.s32 $0x1BF5;
	[smem:$0x3FBB] =	sst s0  }
0x18: {  	s0 =	sld [smem:$0x3F9E];
	_ =	swait.ge [sflag:s4], $0x0  }
0x19: {  	s7 =	sld [smem:$0x3F9F]  }
0x1a: {  	s8 =	sadd.s32 $0xFFFFE003, lr  }
0x1b: {  	s9 =	sadd.s32 $0xFFFFFEF7, lr;
	s5 =	simm.s32 $0xFFFFFFFF;
	p2 =	slt.u32 s8, $0xFFFFF086  }
0x1c: {  	p1 =	slt.u32 s9, $0xF7A;
	s5 =	simm.s32 @!p2 $0x0  }
0x1d: {  	s5 =	simm.s32 @p1 $0x1;
	p0 =	seq.s32 s7, s2  }
0x1e: {  	s7 =	smul.u32 @!p0 $0xF7A, s2;
	p2 =	seq.s32 @!p0 s5, $0x0  }
0x1f: {  	s9 =	smul.u32 $0xF7A, s1;
	s8 =	simm.s32 @!p0 $0x1BF5;
	p2 =	por !p2, p0  }
0x20: {  	[sflag:s8] =	ssyncset.s32 @!p0 $0xFFFFF086;
	s6 =	sadd.s32 @!p0 s3, s7;
	s7 =	simm.s32 @!p0 $0x108  }
0x21: {  	s3 =	sadd.s32 s3, s9;
	s6 =	sadd.s32 @!p0 $0x88, s6;
	s7 =	simm.s32 @p2 $0x1082  }
0x22: {  	[simem:s7], [sflag:s8] =	dma.local @!p0 [hbm:s6], $0xF7A  }
0x23: {  	s9 =	sor.u32 $0xD0000000, s2;
	s6 =	simm.s32 $0x108;
	_ =	swait.ge @!p0 [sflag:s8], $0x0  }
0x24: {  	s3 =	sadd.s32 $0x88, s3;
	s6 =	simm.s32 @!p1 $0x1082;
	[sflag:s4] =	ssyncset.s32 $0xFFFFF086  }
0x25: {  	[simem:s6], [sflag:s4] =	dma.local [hbm:s3], $0xF7A  }
0x26: {  	[smem:$0x3F9F] =	sst s1;
	(tag) =	ssettag s2;
	_ =	strace s9  }
0x27: {  	s1 =	sld [smem:$0x3FAF]  }
0x28: {  	s2 =	sld [smem:$0x3FB0]  }
0x29: {  	s4 =	sld [smem:$0x3FB2]  }
0x2a: {  	p0 =	seq.s32 s5, $0x0;
	s5 =	sld [smem:$0x3FB3]  }
0x2b: {  	s6 =	sld [smem:$0x3FB4]  }
0x2c: {  	s7 =	sld [smem:$0x3FB5]  }
0x2d: {  	s3 =	simm.s32 $0x108;
	s8 =	sld [smem:$0x3FB6]  }
0x2e: {  	s3 =	simm.s32 @!p0 $0x1082;
	s9 =	sld [smem:$0x3FB7]  }
0x2f: {  	lr =	sadd.s32 s0, s3;
	s0 =	sld [smem:$0x3FAE]  }
0x30: {  	s3 =	sld [smem:$0x3FB1]  }
0x31: {  	[smem:$0x3FBA] =	sst s10  }
0x32: {  	s10 =	sld [smem:$0x3FB8];
	_ =	sdelay $0x3  }
0x33: {  	p0 =	seq.s32 s10, $0x1;
	s10 =	sld [smem:$0x3FBA];
	_ =	sdelay $0x3  }
0x34: {  	[smem:$0x3FBA] =	sst s10  }
0x35: {  	s10 =	sld [smem:$0x3FB9];
	_ =	sdelay $0x3  }
0x36: {  	p1 =	seq.s32 s10, $0x1;
	s10 =	sld [smem:$0x3FBA];
	_ =	sdelay $0x3  }
0x37: {  	[smem:$0x3FBA] =	sst s10  }
0x38: {  	s10 =	sld [smem:$0x3FBB]  }
0x39: {  	_ = 	snop;
	(pc) =	sbr.ind lr, $3  }
0x3a: {  	_ = 	snop  }
0x3b: {  	_ = 	snop  }
0x3c: {  	p2 =	seq.s32 s10, $0x1;
	s10 =	sld [smem:$0x3FBA]  }
0x3d: {  	_ =	shalt  }
0x3e: {  	_ =	shalt  }
0x3f: {  	_ =	shalt  }
0x40: {  	_ =	shalt  }
0x41: {  	_ =	shalt  }
0x42: {  	_ =	shalt  }
0x43: {  	_ =	shalt  }
0x44: {  	_ =	shalt  }
0x45: {  	_ =	shalt  }
0x46: {  	_ =	shalt  }
0x47: {  	_ =	shalt  }
0x48: {  	_ =	shalt  }
0x49: {  	_ =	shalt  }
0x4a: {  	_ =	shalt  }
0x4b: {  	_ =	shalt  }
0x4c: {  	_ =	shalt  }
0x4d: {  	_ =	shalt  }
0x4e: {  	_ =	shalt  }
0x4f: {  	_ =	shalt  }
0x50: {  	_ =	shalt  }
0x51: {  	_ =	shalt  }
0x52: {  	_ =	shalt  }
0x53: {  	_ =	shalt  }
0x54: {  	_ =	shalt  }
0x55: {  	_ =	shalt  }
0x56: {  	_ =	shalt  }
0x57: {  	_ =	shalt  }
0x58: {  	_ =	shalt  }
0x59: {  	_ =	shalt  }
0x5a: {  	_ =	shalt  }
0x5b: {  	_ =	shalt  }
0x5c: {  	_ =	shalt  }
0x5d: {  	_ =	shalt  }
0x5e: {  	_ =	shalt  }
0x5f: {  	_ =	shalt  }
0x60: {  	_ =	shalt  }
0x61: {  	_ =	shalt  }
0x62: {  	_ =	shalt  }
0x63: {  	_ =	shalt  }
0x64: {  	_ =	shalt  }
0x65: {  	_ =	shalt  }
0x66: {  	_ =	shalt  }
0x67: {  	_ =	shalt  }
0x68: {  	_ =	shalt  }
0x69: {  	_ =	shalt  }
0x6a: {  	_ =	shalt  }
0x6b: {  	_ =	shalt  }
0x6c: {  	_ =	shalt  }
0x6d: {  	_ =	shalt  }
0x6e: {  	_ =	shalt  }
0x6f: {  	_ =	shalt  }
0x70: {  	_ =	shalt  }
0x71: {  	_ =	shalt  }
0x72: {  	_ =	shalt  }
0x73: {  	_ =	shalt  }
0x74: {  	_ =	shalt  }
0x75: {  	_ =	shalt  }
0x76: {  	_ =	shalt  }
0x77: {  	_ =	shalt  }
0x78: {  	_ =	shalt  }
0x79: {  	_ =	shalt  }
0x7a: {  	_ =	shalt  }
0x7b: {  	_ =	shalt  }
0x7c: {  	_ =	shalt  }
0x7d: {  	_ =	shalt  }
0x7e: {  	_ =	shalt  }
0x7f: {  	_ =	shalt  }
0x80: {  	_ =	shalt  }
0x81: {  	_ =	shalt  }
0x82: {  	_ =	shalt  }
0x83: {  	_ =	shalt  }
0x84: {  	_ =	shalt  }
0x85: {  	_ =	shalt  }
0x86: {  	_ =	shalt  }
0x87: {  	_ =	shalt  }
.Lfunc_end0:
.L_simem_size_0:
called_computation_lowered:
.L_overlay_start_0:
0x88: {  	s2 =	sld [smem:$0x3FD9]  }
0x89: {  	s3 =	sld [smem:$0x3FFE];
	_ =	sdelay $0x1  }
0x8a: {  	s1 =	srdreg.scid  }
0x8b: {  	s0 =	sand.u32 $0x1, s1  }
0x8c: {  	s18 =	sshll.u32 s0, $0xA;
	s2 =	sadd.s32 s3, s2  }
0x8d: {  	s2 =	sadd.s32 s2, s18  }
0x8e: {  	[smem:$0x3FC6] =	sst s2  }
0x8f: {  	_ = 	snop  }
0x90: {  	s2 =	sld [smem:$0x3FC9]  }
0x91: {  	s19 =	sld [smem:$0x3FC8]  }
0x92: {  	s4 =	sld [smem:$0x3FD0];
	(tm) =	ssettm $0x1  }
0x93: {  	s5 =	sld [smem:$0x3FFB];
	_ =	sdelay $0x3  }
0x94: {  	_ =	strace s5  }
0x95: {  	s5 =	sld [smem:$0x3FFC];
	_ =	sdelay $0x3  }
0x96: {  	_ =	strace s5  }
0x97: {  	s5 =	sld [smem:$0x3FFD];
	_ =	sdelay $0x3  }
0x98: {  	_ =	strace s5  }
0x99: {  	_ =	strace $0x8FFFFFFF  }
0x9a: {  	s20 =	sld [smem:$0x3FDB];
	_ =	sdelay $0x1  }
0x9b: {  	s6 =	simm.s32 $_scs_section_size  }
0x9c: {  	s7 =	simm.s32 $_size__tile_overlayer_lowered;
	s8 =	simm.s32 $_tile_overlayer_lowered  }
0x9d: {  	s23 =	simm.s32 $0x1BFF;
	s22 =	sshll.u32 s8, $0x1;
	s5 =	sadd.s32 s6, s20  }
0x9e: {  	s9 =	simm.s32 $0x0;
	s21 =	sshll.u32 s7, $0x1;
	s7 =	sadd.s32 s22, s5  }
0x9f: {  	[timem:s9], [sflag:s23] =	dma.local [hbm:s7], s21  }
0xa0: {  	_ =	swait.ge [sflag:s23], s21  }
0xa1: {  	s6 =	ssub.s32 $0x0, s21;
	[sflag:s23] =	ssyncset.done $0x0  }
0xa2: {  	[sflag:s23] =	ssyncadd.s32 s6;
	_ =	sdelay $0x1  }
0xa3: {  	s24 =	simm.s32 $0x1B8B  }
0xa4: {  	_ =	swait.ge [sflag:s24], $0x1  }
0xa5: {  	[sflag:s24] =	ssyncset.done $0x0  }
0xa6: {  	s25 =	simm.s32 $0x1B8E;
	[sflag:s24] =	ssyncadd.s32 $0xFFFFFFFF  }
0xa7: {  	s26 =	simm.s32 $execute0_lowered;
	[smem:$0x3FD2] =	sst s25  }
0xa8: {  	s6 =	sshll.u32 s26, $0x1;
	_ =	strace $0x80000046;
	[dreg:$0x1] =	wrdreg $0xFFFFFFFF  }
0xa9: {  	s28 =	simm.s32 $_size_execute0_lowered;
	s5 =	sadd.s32 s5, s6;
	[dreg:$0x0] =	wrdreg $0x0  }
0xaa: {  	s6 =	sshll.u32 s28, $0x1;
	[dreg:$0x2] =	wrdreg s5  }
0xab: {  	[dreg:$0x3] =	wrdreg s6  }
0xac: {  	[dreg:$0x4] =	wrdreg $0xC0  }
0xad: {  	_ =	task [dreg:s9], $0x5FFFF  }
0xae: {  	[dreg:$0x1] =	wrdreg $0xFFFFFFFF  }
0xaf: {  	[dreg:$0x0] =	wrdreg $0x60  }
0xb0: {  	[dreg:$0x2] =	wrdreg s2  }
0xb1: {  	[dreg:$0x3] =	wrdreg s19  }
0xb2: {  	[dreg:$0x4] =	wrdreg s4  }
0xb3: {  	[dreg:$0x5] =	wrdreg $0x9  }
0xb4: {  	_ =	task.clear_ibuf [dreg:s9], $0x6FFFF;
	_ =	strace $0x90000046  }
0xb5: {  	s29 =	simm.s32 $0x9;
	_ =	strace $0x80000048  }
0xb6: {  	_ =	swait.ge [sflag:s29], $0x1  }
0xb7: {  	[sflag:s29] =	ssyncadd.s32 $0xFFFFFFFF  }
0xb8: {  	_ =	strace $0x90000048  }
0xb9: {  	_ =	sfence  }
0xba: {  	s30 =	sld [smem:$0x0];
	_ =	sdelay $0x2  }
0xbb: {  	s31 =	sshll.u32 s1, $0xD;
	s1 =	sshrl.u32 s1, $0x2  }
0xbc: {  	s3 =	sand.u32 $0x4000, s31;
	s1 =	sadd.s32 s1, s30  }
0xbd: {  	s0 =	sor.u32 s3, s0;
	s1 =	sshll.u32 s1, $0x11  }
0xbe: {  	s0 =	sor.u32 s1, s0  }
0xbf: {  	s0 =	sadd.s32 $0x8F2B, s0  }
0xc0: {  	[sflag:s0] =	ssyncadd.remote.s32 $0x1  }
0xc1: {  	_ =	sfence.sel $0xFFFF  }
0xc2: {  	[dreg:$0x0] =	wrdreg $0xFFFFFFFF;
	(pc) =	sbr.abs _section_cstart, $3  }
0xc3: {  	[dreg:$0x1] =	wrdreg $0xFFFFFFFF  }
0xc4: {  	_ =	task.clear_ibuf [dreg:s9], $0x2FFFF;
	_ =	strace $0x9FFFFFFF  }
0xc5: {  	(tm) =	ssettm $0x7FFFFFFF  }
tec
execute0_lowered:
.L_overlay_start_1:
0x0: {  	(tag) =	ssettag $0x1  }
0x1: {  	s1 =	rddreg [dreg:$0x0]  }
0x2: {  	s4 =	rddreg [dreg:$0x1]  }
0x3: {  	s6 =	rddreg [dreg:$0x2];
	s3 =	srdreg.scid  }
0x4: {  	s0 =	stileid.u32;
	s12 =	simm.s32 $0x8800;
	s13 =	simm.s32 $0x180  }
0x5: {  	s14 =	simm.s32 $0xC800;
	s15 =	simm.s32 $0x200;
	s16 =	simm.s32 $0x10800  }
0x6: {  	s17 =	simm.s32 $0x280;
	s18 =	simm.s32 $0x14800;
	s19 =	simm.s32 $0x8  }
0x7: {  	s20 =	simm.s32 $0x9;
	s21 =	simm.s32 $0xA;
	s22 =	simm.s32 $0xB  }
0x8: {  	s23 =	simm.s32 $0xC;
	s24 =	simm.s32 $0xD;
	s25 =	simm.s32 $0xE  }
0x9: {  	s26 =	simm.s32 $0x0;
	s7 =	sand.u32 $0x1, s3;
	s3 =	simm.s32 $0x0  }
0xa: {  	s5 =	sshll.u32 s0, $0xC;
	s31 =	sshll.u32 s0, $0x10;
	s8 =	sshll.u32 s7, $0xB  }
.Ltmp0:
0xb: {  	[smem:$0x7FF] =	sst s3;
	s9 =	ssub.s32 $0x2, s7;
	(pc) =	sbr.rel .LBB2_1-.Ltmp0, $4  }
0xc: {  	s6 =	sadd.s32 s31, s6;
	s7 =	sshll.u32 s7, $0xF;
	s5 =	sor.u32 s8, s5  }
0xd: {  	_ =	strace $0x80000047;
	s30 =	sshrl.u32 s9, $0x1;
	s6 =	sadd.s32 s7, s6  }
0xe: {  	s7 =	simm.s32 $0xF;
	s5 =	sshrl.u32 s5, $0x3;
	s8 =	ssub.s32 s9, s30  }
0xf: {  	s4 =	sadd.s32 s4, s5;
	s5 =	smax.u32 s8, $0x1;
	s8 =	simm.s32 $0x80  }
.LBB2_7:
0x10: {  	_ =	swait.ge [sflag:s19], $0x4000  }
0x11: {  	[sflag:s19] =	ssyncset.done $0x0  }
0x12: {  	[sflag:s19] =	ssyncadd.s32 $0xFFFFC000  }
0x13: {  	_ =	swait.ge [sflag:s20], $0x4000  }
0x14: {  	[sflag:s20] =	ssyncset.done $0x0  }
0x15: {  	[sflag:s20] =	ssyncadd.s32 $0xFFFFC000  }
0x16: {  	_ =	swait.ge [sflag:s21], $0x4000  }
0x17: {  	[sflag:s21] =	ssyncset.done $0x0  }
0x18: {  	[sflag:s21] =	ssyncadd.s32 $0xFFFFC000  }
0x19: {  	_ =	swait.ge [sflag:s22], $0x4000  }
0x1a: {  	[sflag:s22] =	ssyncset.done $0x0  }
0x1b: {  	[sflag:s22] =	ssyncadd.s32 $0xFFFFC000  }
0x1c: {  	_ =	swait.ge [sflag:s23], $0x4000  }
0x1d: {  	[sflag:s23] =	ssyncset.done $0x0  }
0x1e: {  	s26 =	sadd.s32 $0x1, s26;
	[sflag:s23] =	ssyncadd.s32 $0xFFFFC000  }
0x1f: {  	p0 =	sne.s32 s26, s5;
	_ =	swait.ge [sflag:s24], $0x4000  }
.Ltmp1:
0x20: {  	[sflag:s24] =	ssyncset.done $0x0;
	(pc) =	sbr.rel @!p0 .LBB2_8-.Ltmp1, $4  }
0x21: {  	[sflag:s24] =	ssyncadd.s32 $0xFFFFC000  }
0x22: {  	_ =	swait.ge [sflag:s25], $0x4000  }
0x23: {  	[sflag:s25] =	ssyncset.done $0x0  }
0x24: {  	[sflag:s25] =	ssyncadd.s32 $0xFFFFC000  }
.LBB2_1:
0x25: {  	[tilespmem:s3], [sflag:$0xF] =	stream.linear.gather [hbm4b:s4+s3], $0x800, $0x38;
	[tilespmem:$0x1C800] =	vst v63  }
0x26: {  	_ =	swait.ge [sflag:s7], $0x800  }
0x27: {  	[sflag:s7] =	ssyncset.done $0x0  }
0x28: {  	s0 =	simm.s32 $0x800;
	[sflag:s7] =	ssyncadd.s32 $0xFFFFF800  }
0x29: {  	[tilespmem:s0], [sflag:$0x1] =	stream.indirect.gather [hbm4b:s1+s8], $0x80, s3, s8, $0xb8;
	[tilespmem:$0x1C800] =	vst v63  }
0x2a: {  	s11 =	simm.s32 $0x4800  }
0x2b: {  	[tilespmem:s11], [sflag:$0x2] =	stream.indirect.gather [hbm4b:s1+s8], $0x80, s8, s8, $0xb8;
	[tilespmem:$0x1C800] =	vst v63  }
0x2c: {  	s31 =	simm.s32 $0x100  }
0x2d: {  	[tilespmem:s12], [sflag:$0x3] =	stream.indirect.gather [hbm4b:s1+s8], $0x80, s31, s8, $0xb8;
	[tilespmem:$0x1C800] =	vst v63  }
0x2e: {  	_ = 	snop  }
0x2f: {  	[tilespmem:s14], [sflag:$0x4] =	stream.indirect.gather [hbm4b:s1+s8], $0x80, s13, s8, $0xb8;
	[tilespmem:$0x1C800] =	vst v63  }
.Ltmp2:
0x30: {  	_ = 	snop;
	(pc) =	sbr.rel .LBB2_2-.Ltmp2, $4  }
0x31: {  	_ = 	snop  }
0x32: {  	[tilespmem:s16], [sflag:$0x5] =	stream.indirect.gather [hbm4b:s1+s8], $0x80, s15, s8, $0xb8;
	[tilespmem:$0x1C800] =	vst v63  }
0x33: {  	s30 =	simm.s32 $0xFFFFFFFF;
	s28 =	simm.s32 $0x300;
	s29 =	smov.u32 s6  }
0x34: {  	[tilespmem:s18], [sflag:$0x6] =	stream.indirect.gather [hbm4b:s1+s8], $0x80, s17, s8, $0xb8;
	[tilespmem:$0x1C800] =	vst v63  }
.LBB2_3:
0x35: {  	s0 =	sadd.s32 $0x8, s31  }
0x36: {  	_ =	swait.ge [sflag:s0], $0x4000  }
0x37: {  	[sflag:s0] =	ssyncset.done $0x0  }
0x38: {  	[sflag:s0] =	ssyncadd.s32 $0xFFFFC000  }
.LBB2_5:
0x39: {  	s0 =	sshll.u32 s31, $0xE  }
0x3a: {  	s2 =	sadd.s32 $0x1, s31;
	s0 =	sor.u32 $0x800, s0  }
0x3b: {  	[tilespmem:s0], [sflag:s2] =	stream.indirect.gather [hbm4b:s1+s8], $0x80, s28, s8, $0xb8;
	[tilespmem:$0x1C800] =	vst v63  }
.LBB2_6:
0x3c: {  	p0 =	sne.s32 s30, $0xF  }
.Ltmp3:
0x3d: {  	_ = 	snop;
	(pc) =	sbr.rel @!p0 .LBB2_7-.Ltmp3, $2  }
0x3e: {  	_ =	sdelay $0x2  }
0x3f: {  	s28 =	sadd.s32 $0x80, s28;
	s29 =	sadd.s32 $0x800, s29  }
.LBB2_2:
0x40: {  	s0 =	smul.u32 $0x25, s30;
	_ =	sdelay $0x1  }
0x41: {  	s2 =	sadd.s32 $0x25, s0  }
0x42: {  	s31 =	smov.u32 s30;
	s30 =	sadd.s32 $0x1, s30;
	s2 =	sshrl.u32 s2, $0x8  }
0x43: {  	s9 =	ssub.s32 s30, s2  }
0x44: {  	s9 =	sand.u32 $0xFE, s9  }
0x45: {  	s0 =	sadd.s32 $0x103, s0;
	s9 =	sshrl.u32 s9, $0x1  }
0x46: {  	s0 =	sshrl.u32 s0, $0x8;
	s2 =	sadd.s32 s2, s9;
	s9 =	sadd.s32 $0x7, s31  }
0x47: {  	s2 =	sand.u32 $0xFC, s2;
	s10 =	ssub.s32 s9, s0  }
0x48: {  	s2 =	sshrl.u32 s2, $0x2;
	s10 =	sand.u32 $0xFE, s10  }
0x49: {  	s2 =	smul.u32 $0x7, s2;
	s10 =	sshrl.u32 s10, $0x1  }
0x4a: {  	s0 =	sadd.s32 s0, s10  }
0x4b: {  	s2 =	ssub.s32 s30, s2;
	s0 =	sand.u32 $0xFC, s0  }
0x4c: {  	s2 =	sand.u32 $0xFF, s2;
	s0 =	sshrl.u32 s0, $0x2  }
0x4d: {  	p0 =	sgt.u32 s31, $0x8;
	s11 =	sadd.s32 $0x1, s2;
	s0 =	smul.u32 $0x7, s0  }
.Ltmp4:
0x4e: {  	_ =	swait.ge [sflag:s11], $0x4000;
	(pc) =	sbr.rel @!p0 .LBB2_3-.Ltmp4, $4  }
0x4f: {  	[sflag:s11] =	ssyncset.done $0x0  }
0x50: {  	s0 =	ssub.s32 s9, s0;
	[sflag:s11] =	ssyncadd.s32 $0xFFFFC000;
	s11 =	sshll.u32 s2, $0xE  }
0x51: {  	s2 =	sor.u32 $0x8, s2;
	s31 =	sand.u32 $0xFF, s0;
	s10 =	sor.u32 $0x800, s11  }
0x52: {  	[hbm4b:s29+s3] =	stream.linear.scatter [tilespmem:s10], [sflag:s2], $0x4000, $0x38;
	[tilespmem:$0x1C800] =	vst v63  }
0x53: {  	p0 =	sgt.u32 s30, $0x9  }
.Ltmp5:
0x54: {  	_ = 	snop;
	(pc) =	sbr.rel @p0 .LBB2_6-.Ltmp5, $4  }
.Ltmp6:
0x55: {  	_ = 	snop;
	(pc) =	sbr.rel @!p0 .LBB2_5-.Ltmp6, $4  }
0x56: {  	_ = 	snop  }
0x57: {  	_ = 	snop  }
0x58: {  	_ = 	snop  }
0x59: {  	_ = 	snop  }
.LBB2_8:
0x5a: {  	_ =	sfence.sel $0x180000  }
0x5b: {  	[bflag:$0x0] =	sbarrier.arrive $0xFFFF  }
0x5c: {  	_ =	strace $0x90000047  }
0x5d: {  	s0 =	stileid.u32;
	[bflag:$0x2] =	sbarrier.arrive $0xFFFF  }
0x5e: {  	p0 =	sne.s32 s0, $0x0;
	s0 =	rddreg [dreg:$0x3]  }
0x5f: {  	s0 =	sadd.s32 @!p0 $0x100000, s0  }
0x60: {  	[sflag:s0] =	ssyncadd.tile.s32 @!p0 $0x1;
	_ =	shalt  }
.Lfunc_end2:
_tile_overlayer_lowered:
.L_overlay_start_2:
0x61: {  	(tag) =	ssettag $0x2  }
0x62: {  	s0 =	rddreg [dreg:$0x0];
	s2 =	stileid.u32  }
0x63: {  	s1 =	rddreg [dreg:$0x1];
	p0 =	sne.s32 s2, $0x0  }
0x64: {  	s3 =	rddreg [dreg:$0x2];
	[bflag:$0x3] =	sbarrier.arrive $0xFFFF;
	s2 =	simm.s32 @!p0 $0x1C0F  }
0x65: {  	[timem:s3], [sflag:s2] =	dma.local @!p0 [hbm:s0], s1  }
0x66: {  	s0 =	simm.s32 @!p0 $0xF  }
0x67: {  	_ =	swait.ge @!p0 [sflag:s0], s1  }
0x68: {  	s1 =	ssub.s32 @!p0 $0x0, s1;
	[sflag:s0] =	ssyncset.done @!p0 $0x0  }
0x69: {  	[sflag:s0] =	ssyncadd.s32 @!p0 s1  }
0x6a: {  	[bflag:$0x3] =	sbarrier.arrive $0xFFFF  }
0x6b: {  	_ =	shalt  }

</sc_bundles>
